<compile_context>
chip_gen: v7x
topology: tpu7x:2x2x1
jax: 0.10.2.dev20260603
libtpu: 0.0.44.dev20260713+nightly
codegen_flags: <defaults>
</compile_context>

<pallas_src>
import functools

import jax
import jax.numpy as jnp
from jax import lax
from jax.experimental import pallas as pl
from jax.experimental.pallas import tpu as pltpu
from jax.experimental.pallas import tpu_sc as plsc

_NC = 2
_NS = 16
_NW = _NC * _NS
_EPS = 1e-05


_NSLOT = 4


def _make_sc_gather(n, d, chunk):
    b_per_w = n // _NW
    n_chunks = b_per_w // chunk
    assert b_per_w % chunk == 0 and n_chunks % _NSLOT == 0
    mesh = plsc.VectorSubcoreMesh(
        core_axis_name="c", subcore_axis_name="s",
        num_cores=_NC, num_subcores=_NS)

    @functools.partial(
        pl.kernel,
        out_type=jax.ShapeDtypeStruct((n, d), jnp.float32),
        mesh=mesh,
        scratch_types=[
            pltpu.VMEM((b_per_w,), jnp.int32),
        ]
        + [pltpu.VMEM((chunk, d), jnp.float32)] * _NSLOT
        + [pltpu.SemaphoreType.DMA] * (2 * _NSLOT),
        compiler_params=pltpu.CompilerParams(needs_layout_passes=False),
    )
    def run(idx_hbm, tab_hbm, out_hbm, idx_v, *bufsem):
        bufs = bufsem[:_NSLOT]
        gsem = bufsem[_NSLOT:2 * _NSLOT]
        ssem = bufsem[2 * _NSLOT:]
        wid = lax.axis_index("s") * _NC + lax.axis_index("c")
        base = wid * b_per_w
        pltpu.sync_copy(idx_hbm.at[pl.ds(base, b_per_w)], idx_v)

        def start_gather(c, p):
            pltpu.async_copy(
                tab_hbm.at[idx_v.at[pl.ds(c * chunk, chunk)]],
                bufs[p], gsem[p])

        def wait_gather(c, p):
            pltpu.make_async_copy(
                tab_hbm.at[idx_v.at[pl.ds(c * chunk, chunk)]],
                bufs[p], gsem[p]).wait()

        def start_store(c, p):
            pltpu.async_copy(
                bufs[p], out_hbm.at[pl.ds(base + c * chunk, chunk)], ssem[p])

        def wait_store(c, p):
            pltpu.make_async_copy(
                bufs[p], out_hbm.at[pl.ds(base + c * chunk, chunk)],
                ssem[p]).wait()

        for p in range(_NSLOT):
            start_gather(p, p)

        def step(c, p):
            wait_gather(c, p)
            start_store(c, p)

            @pl.when(c + _NSLOT < n_chunks)
            def _():
                wait_store(c, p)
                start_gather(c + _NSLOT, p)

        def ring_body(g, carry):
            for p in range(_NSLOT):
                step(g * _NSLOT + p, p)
            return carry

        lax.fori_loop(0, n_chunks // _NSLOT, ring_body, 0, unroll=False)

        for p in range(_NSLOT):
            wait_store(n_chunks - _NSLOT + p, p)

    return run


def _norm_body(w_ref, x_ref, acc_ref, o_ref, *, d):
    del acc_ref
    x = x_ref[...]
    ms = jnp.mean(x * x, axis=-1, keepdims=True)
    o_ref[...] = x * lax.rsqrt(ms + _EPS) * w_ref[...]


def _make_tc_norm_slice(n, nk, d, block_rows, row_off, aliased):
    assert nk % block_rows == 0 and row_off % block_rows == 0
    grid = (nk // block_rows,)
    blk_off = row_off // block_rows
    return pl.pallas_call(
        functools.partial(_norm_body, d=d),
        grid=grid,
        in_specs=[
            pl.BlockSpec((1, d), lambda i: (0, 0)),
            pl.BlockSpec((block_rows, d), lambda i: (i, 0)),
            pl.BlockSpec(memory_space=pl.ANY),
        ],
        out_specs=pl.BlockSpec((block_rows, d), lambda i: (i + blk_off, 0)),
        out_shape=jax.ShapeDtypeStruct((n, d), jnp.float32),
        input_output_aliases={2: 0} if aliased else {},
    )


def kernel(input_ids, table, rms_weight):
    batch, seq = input_ids.shape
    vocab, d = table.shape
    n = batch * seq
    nchunk = 1
    block_rows = 2048
    nk = n // nchunk
    idx = input_ids.reshape(n).astype(jnp.int32)
    w2d = rms_weight.astype(jnp.float32).reshape(1, d)

    sc_gather = _make_sc_gather(nk, d, chunk=16)
    gathered = [
        lax.optimization_barrier(sc_gather(idx[k * nk:(k + 1) * nk], table))
        for k in range(nchunk)
    ]

    out = _make_tc_norm_slice(n, nk, d, block_rows, 0, aliased=False)(
        w2d, gathered[0], gathered[0])
    for k in range(1, nchunk):
        out = _make_tc_norm_slice(n, nk, d, block_rows, k * nk, aliased=True)(
            w2d, gathered[k], out)
    return out.reshape(batch, seq, d)

# --- scband reference (transcript-rebuilt; emitter-appended) ---
"""Pipeline reference for scband-token-embedding-20289425506626 (READ-ONLY COPY).

The authoritative reference and input builder live on the scoring server;
editing this copy changes nothing except your own understanding.
"""

import jax, jax.numpy as jnp
import numpy as np

VOCAB = 100000
HIDDEN = 1024
BATCH = 4
SEQ = 8192
EPS = 1e-05


def setup_inputs(seed: int = 0) -> dict:
    key = jax.random.key(seed)
    k_ids, k_tab = jax.random.split(key)
    input_ids = jax.random.randint(k_ids, (BATCH, SEQ), 0, VOCAB, dtype=jnp.int64 if jax.config.read('jax_enable_x64') else jnp.int32)
    table = jax.random.normal(k_tab, (VOCAB, HIDDEN), dtype=jnp.float32)
    rms_weight = jnp.ones((HIDDEN,), dtype=jnp.float32)
    return {"input_ids": input_ids, "table": table, "rms_weight": rms_weight}


def _rms_norm(x, weight, eps=EPS):
    xf = x.astype(jnp.float32)
    norm = xf * jax.lax.rsqrt(jnp.mean(xf * xf, axis=-1, keepdims=True) + eps)
    return norm.astype(x.dtype) * weight


def reference(input_ids, table, rms_weight):
    # nn.Embedding lookup -> gather rows from table
    embeddings = jnp.take(table, input_ids, axis=0)
    # embedding_shrinking only active in training mode -> skipped (eval)
    # embedding_layer_norm with rmsnorm
    embeddings = _rms_norm(embeddings, rms_weight)
    return embeddings

if __name__ == "__main__":
    import jax
    _d = setup_inputs()
    print(jax.jit(kernel)(*tuple(_d.values())))

</pallas_src>

<mosaic_0001>
#map = affine_map<(d0, d1) -> (0)>
#map1 = affine_map<(d0, d1) -> (0, 0)>
module attributes {stable_mosaic.version = 14 : i64} {
  func.func @run(%arg0: i32, %arg1: i32, %arg2: memref<32768xi32, #tpu.memory_space<hbm>>, %arg3: memref<100000x1024xf32, #tpu.memory_space<hbm>>, %arg4: memref<32768x1024xf32, #tpu.memory_space<hbm>>, %arg5: memref<1024xi32, #tpu.memory_space<vmem>>, %arg6: memref<16x1024xf32, #tpu.memory_space<vmem>>, %arg7: memref<16x1024xf32, #tpu.memory_space<vmem>>, %arg8: memref<16x1024xf32, #tpu.memory_space<vmem>>, %arg9: memref<16x1024xf32, #tpu.memory_space<vmem>>, %arg10: memref<!tpu.dma_semaphore, #tpu.memory_space<semaphore_mem>>, %arg11: memref<!tpu.dma_semaphore, #tpu.memory_space<semaphore_mem>>, %arg12: memref<!tpu.dma_semaphore, #tpu.memory_space<semaphore_mem>>, %arg13: memref<!tpu.dma_semaphore, #tpu.memory_space<semaphore_mem>>, %arg14: memref<!tpu.dma_semaphore, #tpu.memory_space<semaphore_mem>>, %arg15: memref<!tpu.dma_semaphore, #tpu.memory_space<semaphore_mem>>, %arg16: memref<!tpu.dma_semaphore, #tpu.memory_space<semaphore_mem>>, %arg17: memref<!tpu.dma_semaphore, #tpu.memory_space<semaphore_mem>>) attributes {dimension_semantics = [#tpu.dimension_semantics<core_parallel>, #tpu.dimension_semantics<subcore_parallel>], iteration_bounds = array<i64: 2, 16>, scalar_prefetch = 0 : i64, scratch_operands = 13 : i64, tpu.core_type = #tpu.core_type<sc_vector_subcore>, window_params = [{transform_indices = #map}, {transform_indices = #map1}, {transform_indices = #map1}]} {
    %mul3A = arith.constant 2 : i32
    %mul3A_0 = arith.muli %arg1, %mul3A : i32
    %add3A = arith.addi %mul3A_0, %arg0 : i32
    %mul3A_1 = arith.constant 1024 : i32
    %mul3A_2 = arith.muli %add3A, %mul3A_1 : i32
    "tpu.region"() ({
      %run_scoped3A = tpu.sem_alloc : memref<!tpu.dma_semaphore, #tpu.memory_space<semaphore_mem>>
      %dma_start3A_50 = tpu.memref_slice %arg2[%mul3A_2] : memref<32768xi32, #tpu.memory_space<hbm>> -> memref<1024xi32, #tpu.memory_space<hbm>>
      %dma_start3A_51 = tpu.memref_slice %arg2[%mul3A_2] : memref<32768xi32, #tpu.memory_space<hbm>> -> memref<1024xi32, #tpu.memory_space<hbm>>
      tpu.enqueue_dma source(%dma_start3A_51 : memref<1024xi32, #tpu.memory_space<hbm>>) target(%arg5 : memref<1024xi32, #tpu.memory_space<vmem>>) target_semaphore(%run_scoped3A : memref<!tpu.dma_semaphore, #tpu.memory_space<semaphore_mem>>)
      %dma_wait3A_52 = tpu.memref_slice %arg2[%mul3A_2] : memref<32768xi32, #tpu.memory_space<hbm>> -> memref<1024xi32, #tpu.memory_space<hbm>>
      %dma_wait3A_53 = tpu.memref_slice %arg2[%mul3A_2] : memref<32768xi32, #tpu.memory_space<hbm>> -> memref<1024xi32, #tpu.memory_space<hbm>>
      tpu.wait_dma2 semaphore(%run_scoped3A : memref<!tpu.dma_semaphore, #tpu.memory_space<semaphore_mem>>) src(%dma_wait3A_53 : memref<1024xi32, #tpu.memory_space<hbm>>) dst(%arg5 : memref<1024xi32, #tpu.memory_space<vmem>>)
      tpu.yield
    }) : () -> ()
    %dma_start3A = arith.constant 0 : i32
    %dma_start3A_3 = tpu.memref_slice %arg5[%dma_start3A] : memref<1024xi32, #tpu.memory_space<vmem>> -> memref<16xi32, #tpu.memory_space<vmem>>
    %dma_start3A_4 = arith.constant 0 : i32
    %dma_start3A_5 = arith.constant 0 : i32
    %dma_start3A_6 = tpu.memref_slice %arg3[%dma_start3A_4, %dma_start3A_5] : memref<100000x1024xf32, #tpu.memory_space<hbm>> -> memref<100000x1024xf32, #tpu.memory_space<hbm>>
    tpu.enqueue_indirect_dma source(%dma_start3A_6 : memref<100000x1024xf32, #tpu.memory_space<hbm>>) target(%arg6 : memref<16x1024xf32, #tpu.memory_space<vmem>>) offsets(%dma_start3A_3 : memref<16xi32, #tpu.memory_space<vmem>>) semaphore(%arg10 : memref<!tpu.dma_semaphore, #tpu.memory_space<semaphore_mem>>)
    %dma_start3A_7 = arith.constant 16 : i32
    %dma_start3A_8 = tpu.memref_slice %arg5[%dma_start3A_7] : memref<1024xi32, #tpu.memory_space<vmem>> -> memref<16xi32, #tpu.memory_space<vmem>>
    %dma_start3A_9 = arith.constant 0 : i32
    %dma_start3A_10 = arith.constant 0 : i32
    %dma_start3A_11 = tpu.memref_slice %arg3[%dma_start3A_9, %dma_start3A_10] : memref<100000x1024xf32, #tpu.memory_space<hbm>> -> memref<100000x1024xf32, #tpu.memory_space<hbm>>
    tpu.enqueue_indirect_dma source(%dma_start3A_11 : memref<100000x1024xf32, #tpu.memory_space<hbm>>) target(%arg7 : memref<16x1024xf32, #tpu.memory_space<vmem>>) offsets(%dma_start3A_8 : memref<16xi32, #tpu.memory_space<vmem>>) semaphore(%arg11 : memref<!tpu.dma_semaphore, #tpu.memory_space<semaphore_mem>>)
    %dma_start3A_12 = arith.constant 32 : i32
    %dma_start3A_13 = tpu.memref_slice %arg5[%dma_start3A_12] : memref<1024xi32, #tpu.memory_space<vmem>> -> memref<16xi32, #tpu.memory_space<vmem>>
    %dma_start3A_14 = arith.constant 0 : i32
    %dma_start3A_15 = arith.constant 0 : i32
    %dma_start3A_16 = tpu.memref_slice %arg3[%dma_start3A_14, %dma_start3A_15] : memref<100000x1024xf32, #tpu.memory_space<hbm>> -> memref<100000x1024xf32, #tpu.memory_space<hbm>>
    tpu.enqueue_indirect_dma source(%dma_start3A_16 : memref<100000x1024xf32, #tpu.memory_space<hbm>>) target(%arg8 : memref<16x1024xf32, #tpu.memory_space<vmem>>) offsets(%dma_start3A_13 : memref<16xi32, #tpu.memory_space<vmem>>) semaphore(%arg12 : memref<!tpu.dma_semaphore, #tpu.memory_space<semaphore_mem>>)
    %dma_start3A_17 = arith.constant 48 : i32
    %dma_start3A_18 = tpu.memref_slice %arg5[%dma_start3A_17] : memref<1024xi32, #tpu.memory_space<vmem>> -> memref<16xi32, #tpu.memory_space<vmem>>
    %dma_start3A_19 = arith.constant 0 : i32
    %dma_start3A_20 = arith.constant 0 : i32
    %dma_start3A_21 = tpu.memref_slice %arg3[%dma_start3A_19, %dma_start3A_20] : memref<100000x1024xf32, #tpu.memory_space<hbm>> -> memref<100000x1024xf32, #tpu.memory_space<hbm>>
    tpu.enqueue_indirect_dma source(%dma_start3A_21 : memref<100000x1024xf32, #tpu.memory_space<hbm>>) target(%arg9 : memref<16x1024xf32, #tpu.memory_space<vmem>>) offsets(%dma_start3A_18 : memref<16xi32, #tpu.memory_space<vmem>>) semaphore(%arg13 : memref<!tpu.dma_semaphore, #tpu.memory_space<semaphore_mem>>)
    %scan3A = arith.constant 0 : i32
    %scan3A_22 = arith.constant 0 : i32
    %scan3A_23 = arith.constant 16 : i32
    %scan3A_24 = arith.addi %scan3A_22, %scan3A_23 : i32
    %scan3A_25 = arith.constant 1 : i32
    scf.for %scan3A_50 = %scan3A_22 to %scan3A_24 step %scan3A_25  : i32 {
      %mul3A_51 = arith.constant 4 : i32
      %mul3A_52 = arith.muli %scan3A_50, %mul3A_51 : i32
      %add3A_53 = arith.constant 0 : i32
      %add3A_54 = arith.addi %mul3A_52, %add3A_53 : i32
      %mul3A_55 = arith.constant 16 : i32
      %mul3A_56 = arith.muli %add3A_54, %mul3A_55 : i32
      %dma_wait3A_57 = tpu.memref_slice %arg5[%mul3A_56] : memref<1024xi32, #tpu.memory_space<vmem>> -> memref<16xi32, #tpu.memory_space<vmem>>
      %dma_wait3A_58 = arith.constant 0 : i32
      %dma_wait3A_59 = arith.constant 0 : i32
      %dma_wait3A_60 = tpu.memref_slice %arg3[%dma_wait3A_58, %dma_wait3A_59] : memref<100000x1024xf32, #tpu.memory_space<hbm>> -> memref<100000x1024xf32, #tpu.memory_space<hbm>>
      tpu.wait_indirect_dma semaphore(%arg10 : memref<!tpu.dma_semaphore, #tpu.memory_space<semaphore_mem>>) src(%dma_wait3A_60 : memref<100000x1024xf32, #tpu.memory_space<hbm>>) dst(%arg6 : memref<16x1024xf32, #tpu.memory_space<vmem>>)
      %mul3A_61 = arith.constant 16 : i32
      %mul3A_62 = arith.muli %add3A_54, %mul3A_61 : i32
      %add3A_63 = arith.addi %mul3A_2, %mul3A_62 : i32
      %dma_start3A_64 = arith.constant 0 : i32
      %dma_start3A_65 = tpu.memref_slice %arg4[%add3A_63, %dma_start3A_64] : memref<32768x1024xf32, #tpu.memory_space<hbm>> -> memref<16x1024xf32, #tpu.memory_space<hbm>>
      %dma_start3A_66 = arith.constant 0 : i32
      %dma_start3A_67 = tpu.memref_slice %arg4[%add3A_63, %dma_start3A_66] : memref<32768x1024xf32, #tpu.memory_space<hbm>> -> memref<16x1024xf32, #tpu.memory_space<hbm>>
      tpu.enqueue_dma source(%arg6 : memref<16x1024xf32, #tpu.memory_space<vmem>>) target(%dma_start3A_67 : memref<16x1024xf32, #tpu.memory_space<hbm>>) target_semaphore(%arg14 : memref<!tpu.dma_semaphore, #tpu.memory_space<semaphore_mem>>)
      %add3A_68 = arith.constant 4 : i32
      %add3A_69 = arith.addi %add3A_54, %add3A_68 : i32
      %lt3A = arith.constant 64 : i32
      %lt3A_70 = arith.cmpi slt, %add3A_69, %lt3A : i32
      %convert_element_type3A = arith.extui %lt3A_70 : i1 to i32
      %cond3A = arith.constant 0 : i32
      %cond3A_71 = arith.cmpi ne, %convert_element_type3A, %cond3A : i32
      scf.if %cond3A_71 {
        %mul3A_144 = arith.constant 16 : i32
        %mul3A_145 = arith.muli %add3A_54, %mul3A_144 : i32
        %add3A_146 = arith.addi %mul3A_2, %mul3A_145 : i32
        %dma_wait3A_147 = arith.constant 0 : i32
        %dma_wait3A_148 = tpu.memref_slice %arg4[%add3A_146, %dma_wait3A_147] : memref<32768x1024xf32, #tpu.memory_space<hbm>> -> memref<16x1024xf32, #tpu.memory_space<hbm>>
        %dma_wait3A_149 = arith.constant 0 : i32
        %dma_wait3A_150 = tpu.memref_slice %arg4[%add3A_146, %dma_wait3A_149] : memref<32768x1024xf32, #tpu.memory_space<hbm>> -> memref<16x1024xf32, #tpu.memory_space<hbm>>
        tpu.wait_dma2 semaphore(%arg14 : memref<!tpu.dma_semaphore, #tpu.memory_space<semaphore_mem>>) src(%arg6 : memref<16x1024xf32, #tpu.memory_space<vmem>>) dst(%dma_wait3A_150 : memref<16x1024xf32, #tpu.memory_space<hbm>>)
        %add3A_151 = arith.constant 4 : i32
        %add3A_152 = arith.addi %add3A_54, %add3A_151 : i32
        %mul3A_153 = arith.constant 16 : i32
        %mul3A_154 = arith.muli %add3A_152, %mul3A_153 : i32
        %dma_start3A_155 = tpu.memref_slice %arg5[%mul3A_154] : memref<1024xi32, #tpu.memory_space<vmem>> -> memref<16xi32, #tpu.memory_space<vmem>>
        %dma_start3A_156 = arith.constant 0 : i32
        %dma_start3A_157 = arith.constant 0 : i32
        %dma_start3A_158 = tpu.memref_slice %arg3[%dma_start3A_156, %dma_start3A_157] : memref<100000x1024xf32, #tpu.memory_space<hbm>> -> memref<100000x1024xf32, #tpu.memory_space<hbm>>
        tpu.enqueue_indirect_dma source(%dma_start3A_158 : memref<100000x1024xf32, #tpu.memory_space<hbm>>) target(%arg6 : memref<16x1024xf32, #tpu.memory_space<vmem>>) offsets(%dma_start3A_155 : memref<16xi32, #tpu.memory_space<vmem>>) semaphore(%arg10 : memref<!tpu.dma_semaphore, #tpu.memory_space<semaphore_mem>>)
      } else {
      }
      %mul3A_72 = arith.constant 4 : i32
      %mul3A_73 = arith.muli %scan3A_50, %mul3A_72 : i32
      %add3A_74 = arith.constant 1 : i32
      %add3A_75 = arith.addi %mul3A_73, %add3A_74 : i32
      %mul3A_76 = arith.constant 16 : i32
      %mul3A_77 = arith.muli %add3A_75, %mul3A_76 : i32
      %dma_wait3A_78 = tpu.memref_slice %arg5[%mul3A_77] : memref<1024xi32, #tpu.memory_space<vmem>> -> memref<16xi32, #tpu.memory_space<vmem>>
      %dma_wait3A_79 = arith.constant 0 : i32
      %dma_wait3A_80 = arith.constant 0 : i32
      %dma_wait3A_81 = tpu.memref_slice %arg3[%dma_wait3A_79, %dma_wait3A_80] : memref<100000x1024xf32, #tpu.memory_space<hbm>> -> memref<100000x1024xf32, #tpu.memory_space<hbm>>
      tpu.wait_indirect_dma semaphore(%arg11 : memref<!tpu.dma_semaphore, #tpu.memory_space<semaphore_mem>>) src(%dma_wait3A_81 : memref<100000x1024xf32, #tpu.memory_space<hbm>>) dst(%arg7 : memref<16x1024xf32, #tpu.memory_space<vmem>>)
      %mul3A_82 = arith.constant 16 : i32
      %mul3A_83 = arith.muli %add3A_75, %mul3A_82 : i32
      %add3A_84 = arith.addi %mul3A_2, %mul3A_83 : i32
      %dma_start3A_85 = arith.constant 0 : i32
      %dma_start3A_86 = tpu.memref_slice %arg4[%add3A_84, %dma_start3A_85] : memref<32768x1024xf32, #tpu.memory_space<hbm>> -> memref<16x1024xf32, #tpu.memory_space<hbm>>
      %dma_start3A_87 = arith.constant 0 : i32
      %dma_start3A_88 = tpu.memref_slice %arg4[%add3A_84, %dma_start3A_87] : memref<32768x1024xf32, #tpu.memory_space<hbm>> -> memref<16x1024xf32, #tpu.memory_space<hbm>>
      tpu.enqueue_dma source(%arg7 : memref<16x1024xf32, #tpu.memory_space<vmem>>) target(%dma_start3A_88 : memref<16x1024xf32, #tpu.memory_space<hbm>>) target_semaphore(%arg15 : memref<!tpu.dma_semaphore, #tpu.memory_space<semaphore_mem>>)
      %add3A_89 = arith.constant 4 : i32
      %add3A_90 = arith.addi %add3A_75, %add3A_89 : i32
      %lt3A_91 = arith.constant 64 : i32
      %lt3A_92 = arith.cmpi slt, %add3A_90, %lt3A_91 : i32
      %convert_element_type3A_93 = arith.extui %lt3A_92 : i1 to i32
      %cond3A_94 = arith.constant 0 : i32
      %cond3A_95 = arith.cmpi ne, %convert_element_type3A_93, %cond3A_94 : i32
      scf.if %cond3A_95 {
        %mul3A_144 = arith.constant 16 : i32
        %mul3A_145 = arith.muli %add3A_75, %mul3A_144 : i32
        %add3A_146 = arith.addi %mul3A_2, %mul3A_145 : i32
        %dma_wait3A_147 = arith.constant 0 : i32
        %dma_wait3A_148 = tpu.memref_slice %arg4[%add3A_146, %dma_wait3A_147] : memref<32768x1024xf32, #tpu.memory_space<hbm>> -> memref<16x1024xf32, #tpu.memory_space<hbm>>
        %dma_wait3A_149 = arith.constant 0 : i32
        %dma_wait3A_150 = tpu.memref_slice %arg4[%add3A_146, %dma_wait3A_149] : memref<32768x1024xf32, #tpu.memory_space<hbm>> -> memref<16x1024xf32, #tpu.memory_space<hbm>>
        tpu.wait_dma2 semaphore(%arg15 : memref<!tpu.dma_semaphore, #tpu.memory_space<semaphore_mem>>) src(%arg7 : memref<16x1024xf32, #tpu.memory_space<vmem>>) dst(%dma_wait3A_150 : memref<16x1024xf32, #tpu.memory_space<hbm>>)
        %add3A_151 = arith.constant 4 : i32
        %add3A_152 = arith.addi %add3A_75, %add3A_151 : i32
        %mul3A_153 = arith.constant 16 : i32
        %mul3A_154 = arith.muli %add3A_152, %mul3A_153 : i32
        %dma_start3A_155 = tpu.memref_slice %arg5[%mul3A_154] : memref<1024xi32, #tpu.memory_space<vmem>> -> memref<16xi32, #tpu.memory_space<vmem>>
        %dma_start3A_156 = arith.constant 0 : i32
        %dma_start3A_157 = arith.constant 0 : i32
        %dma_start3A_158 = tpu.memref_slice %arg3[%dma_start3A_156, %dma_start3A_157] : memref<100000x1024xf32, #tpu.memory_space<hbm>> -> memref<100000x1024xf32, #tpu.memory_space<hbm>>
        tpu.enqueue_indirect_dma source(%dma_start3A_158 : memref<100000x1024xf32, #tpu.memory_space<hbm>>) target(%arg7 : memref<16x1024xf32, #tpu.memory_space<vmem>>) offsets(%dma_start3A_155 : memref<16xi32, #tpu.memory_space<vmem>>) semaphore(%arg11 : memref<!tpu.dma_semaphore, #tpu.memory_space<semaphore_mem>>)
      } else {
      }
      %mul3A_96 = arith.constant 4 : i32
      %mul3A_97 = arith.muli %scan3A_50, %mul3A_96 : i32
      %add3A_98 = arith.constant 2 : i32
      %add3A_99 = arith.addi %mul3A_97, %add3A_98 : i32
      %mul3A_100 = arith.constant 16 : i32
      %mul3A_101 = arith.muli %add3A_99, %mul3A_100 : i32
      %dma_wait3A_102 = tpu.memref_slice %arg5[%mul3A_101] : memref<1024xi32, #tpu.memory_space<vmem>> -> memref<16xi32, #tpu.memory_space<vmem>>
      %dma_wait3A_103 = arith.constant 0 : i32
      %dma_wait3A_104 = arith.constant 0 : i32
      %dma_wait3A_105 = tpu.memref_slice %arg3[%dma_wait3A_103, %dma_wait3A_104] : memref<100000x1024xf32, #tpu.memory_space<hbm>> -> memref<100000x1024xf32, #tpu.memory_space<hbm>>
      tpu.wait_indirect_dma semaphore(%arg12 : memref<!tpu.dma_semaphore, #tpu.memory_space<semaphore_mem>>) src(%dma_wait3A_105 : memref<100000x1024xf32, #tpu.memory_space<hbm>>) dst(%arg8 : memref<16x1024xf32, #tpu.memory_space<vmem>>)
      %mul3A_106 = arith.constant 16 : i32
      %mul3A_107 = arith.muli %add3A_99, %mul3A_106 : i32
      %add3A_108 = arith.addi %mul3A_2, %mul3A_107 : i32
      %dma_start3A_109 = arith.constant 0 : i32
      %dma_start3A_110 = tpu.memref_slice %arg4[%add3A_108, %dma_start3A_109] : memref<32768x1024xf32, #tpu.memory_space<hbm>> -> memref<16x1024xf32, #tpu.memory_space<hbm>>
      %dma_start3A_111 = arith.constant 0 : i32
      %dma_start3A_112 = tpu.memref_slice %arg4[%add3A_108, %dma_start3A_111] : memref<32768x1024xf32, #tpu.memory_space<hbm>> -> memref<16x1024xf32, #tpu.memory_space<hbm>>
      tpu.enqueue_dma source(%arg8 : memref<16x1024xf32, #tpu.memory_space<vmem>>) target(%dma_start3A_112 : memref<16x1024xf32, #tpu.memory_space<hbm>>) target_semaphore(%arg16 : memref<!tpu.dma_semaphore, #tpu.memory_space<semaphore_mem>>)
      %add3A_113 = arith.constant 4 : i32
      %add3A_114 = arith.addi %add3A_99, %add3A_113 : i32
      %lt3A_115 = arith.constant 64 : i32
      %lt3A_116 = arith.cmpi slt, %add3A_114, %lt3A_115 : i32
      %convert_element_type3A_117 = arith.extui %lt3A_116 : i1 to i32
      %cond3A_118 = arith.constant 0 : i32
      %cond3A_119 = arith.cmpi ne, %convert_element_type3A_117, %cond3A_118 : i32
      scf.if %cond3A_119 {
        %mul3A_144 = arith.constant 16 : i32
        %mul3A_145 = arith.muli %add3A_99, %mul3A_144 : i32
        %add3A_146 = arith.addi %mul3A_2, %mul3A_145 : i32
        %dma_wait3A_147 = arith.constant 0 : i32
        %dma_wait3A_148 = tpu.memref_slice %arg4[%add3A_146, %dma_wait3A_147] : memref<32768x1024xf32, #tpu.memory_space<hbm>> -> memref<16x1024xf32, #tpu.memory_space<hbm>>
        %dma_wait3A_149 = arith.constant 0 : i32
        %dma_wait3A_150 = tpu.memref_slice %arg4[%add3A_146, %dma_wait3A_149] : memref<32768x1024xf32, #tpu.memory_space<hbm>> -> memref<16x1024xf32, #tpu.memory_space<hbm>>
        tpu.wait_dma2 semaphore(%arg16 : memref<!tpu.dma_semaphore, #tpu.memory_space<semaphore_mem>>) src(%arg8 : memref<16x1024xf32, #tpu.memory_space<vmem>>) dst(%dma_wait3A_150 : memref<16x1024xf32, #tpu.memory_space<hbm>>)
        %add3A_151 = arith.constant 4 : i32
        %add3A_152 = arith.addi %add3A_99, %add3A_151 : i32
        %mul3A_153 = arith.constant 16 : i32
        %mul3A_154 = arith.muli %add3A_152, %mul3A_153 : i32
        %dma_start3A_155 = tpu.memref_slice %arg5[%mul3A_154] : memref<1024xi32, #tpu.memory_space<vmem>> -> memref<16xi32, #tpu.memory_space<vmem>>
        %dma_start3A_156 = arith.constant 0 : i32
        %dma_start3A_157 = arith.constant 0 : i32
        %dma_start3A_158 = tpu.memref_slice %arg3[%dma_start3A_156, %dma_start3A_157] : memref<100000x1024xf32, #tpu.memory_space<hbm>> -> memref<100000x1024xf32, #tpu.memory_space<hbm>>
        tpu.enqueue_indirect_dma source(%dma_start3A_158 : memref<100000x1024xf32, #tpu.memory_space<hbm>>) target(%arg8 : memref<16x1024xf32, #tpu.memory_space<vmem>>) offsets(%dma_start3A_155 : memref<16xi32, #tpu.memory_space<vmem>>) semaphore(%arg12 : memref<!tpu.dma_semaphore, #tpu.memory_space<semaphore_mem>>)
      } else {
      }
      %mul3A_120 = arith.constant 4 : i32
      %mul3A_121 = arith.muli %scan3A_50, %mul3A_120 : i32
      %add3A_122 = arith.constant 3 : i32
      %add3A_123 = arith.addi %mul3A_121, %add3A_122 : i32
      %mul3A_124 = arith.constant 16 : i32
      %mul3A_125 = arith.muli %add3A_123, %mul3A_124 : i32
      %dma_wait3A_126 = tpu.memref_slice %arg5[%mul3A_125] : memref<1024xi32, #tpu.memory_space<vmem>> -> memref<16xi32, #tpu.memory_space<vmem>>
      %dma_wait3A_127 = arith.constant 0 : i32
      %dma_wait3A_128 = arith.constant 0 : i32
      %dma_wait3A_129 = tpu.memref_slice %arg3[%dma_wait3A_127, %dma_wait3A_128] : memref<100000x1024xf32, #tpu.memory_space<hbm>> -> memref<100000x1024xf32, #tpu.memory_space<hbm>>
      tpu.wait_indirect_dma semaphore(%arg13 : memref<!tpu.dma_semaphore, #tpu.memory_space<semaphore_mem>>) src(%dma_wait3A_129 : memref<100000x1024xf32, #tpu.memory_space<hbm>>) dst(%arg9 : memref<16x1024xf32, #tpu.memory_space<vmem>>)
      %mul3A_130 = arith.constant 16 : i32
      %mul3A_131 = arith.muli %add3A_123, %mul3A_130 : i32
      %add3A_132 = arith.addi %mul3A_2, %mul3A_131 : i32
      %dma_start3A_133 = arith.constant 0 : i32
      %dma_start3A_134 = tpu.memref_slice %arg4[%add3A_132, %dma_start3A_133] : memref<32768x1024xf32, #tpu.memory_space<hbm>> -> memref<16x1024xf32, #tpu.memory_space<hbm>>
      %dma_start3A_135 = arith.constant 0 : i32
      %dma_start3A_136 = tpu.memref_slice %arg4[%add3A_132, %dma_start3A_135] : memref<32768x1024xf32, #tpu.memory_space<hbm>> -> memref<16x1024xf32, #tpu.memory_space<hbm>>
      tpu.enqueue_dma source(%arg9 : memref<16x1024xf32, #tpu.memory_space<vmem>>) target(%dma_start3A_136 : memref<16x1024xf32, #tpu.memory_space<hbm>>) target_semaphore(%arg17 : memref<!tpu.dma_semaphore, #tpu.memory_space<semaphore_mem>>)
      %add3A_137 = arith.constant 4 : i32
      %add3A_138 = arith.addi %add3A_123, %add3A_137 : i32
      %lt3A_139 = arith.constant 64 : i32
      %lt3A_140 = arith.cmpi slt, %add3A_138, %lt3A_139 : i32
      %convert_element_type3A_141 = arith.extui %lt3A_140 : i1 to i32
      %cond3A_142 = arith.constant 0 : i32
      %cond3A_143 = arith.cmpi ne, %convert_element_type3A_141, %cond3A_142 : i32
      scf.if %cond3A_143 {
        %mul3A_144 = arith.constant 16 : i32
        %mul3A_145 = arith.muli %add3A_123, %mul3A_144 : i32
        %add3A_146 = arith.addi %mul3A_2, %mul3A_145 : i32
        %dma_wait3A_147 = arith.constant 0 : i32
        %dma_wait3A_148 = tpu.memref_slice %arg4[%add3A_146, %dma_wait3A_147] : memref<32768x1024xf32, #tpu.memory_space<hbm>> -> memref<16x1024xf32, #tpu.memory_space<hbm>>
        %dma_wait3A_149 = arith.constant 0 : i32
        %dma_wait3A_150 = tpu.memref_slice %arg4[%add3A_146, %dma_wait3A_149] : memref<32768x1024xf32, #tpu.memory_space<hbm>> -> memref<16x1024xf32, #tpu.memory_space<hbm>>
        tpu.wait_dma2 semaphore(%arg17 : memref<!tpu.dma_semaphore, #tpu.memory_space<semaphore_mem>>) src(%arg9 : memref<16x1024xf32, #tpu.memory_space<vmem>>) dst(%dma_wait3A_150 : memref<16x1024xf32, #tpu.memory_space<hbm>>)
        %add3A_151 = arith.constant 4 : i32
        %add3A_152 = arith.addi %add3A_123, %add3A_151 : i32
        %mul3A_153 = arith.constant 16 : i32
        %mul3A_154 = arith.muli %add3A_152, %mul3A_153 : i32
        %dma_start3A_155 = tpu.memref_slice %arg5[%mul3A_154] : memref<1024xi32, #tpu.memory_space<vmem>> -> memref<16xi32, #tpu.memory_space<vmem>>
        %dma_start3A_156 = arith.constant 0 : i32
        %dma_start3A_157 = arith.constant 0 : i32
        %dma_start3A_158 = tpu.memref_slice %arg3[%dma_start3A_156, %dma_start3A_157] : memref<100000x1024xf32, #tpu.memory_space<hbm>> -> memref<100000x1024xf32, #tpu.memory_space<hbm>>
        tpu.enqueue_indirect_dma source(%dma_start3A_158 : memref<100000x1024xf32, #tpu.memory_space<hbm>>) target(%arg9 : memref<16x1024xf32, #tpu.memory_space<vmem>>) offsets(%dma_start3A_155 : memref<16xi32, #tpu.memory_space<vmem>>) semaphore(%arg13 : memref<!tpu.dma_semaphore, #tpu.memory_space<semaphore_mem>>)
      } else {
      }
    }
    %scan3A_26 = arith.constant 16 : i32
    %add3A_27 = arith.constant 960 : i32
    %add3A_28 = arith.addi %mul3A_2, %add3A_27 : i32
    %dma_wait3A = arith.constant 0 : i32
    %dma_wait3A_29 = tpu.memref_slice %arg4[%add3A_28, %dma_wait3A] : memref<32768x1024xf32, #tpu.memory_space<hbm>> -> memref<16x1024xf32, #tpu.memory_space<hbm>>
    %dma_wait3A_30 = arith.constant 0 : i32
    %dma_wait3A_31 = tpu.memref_slice %arg4[%add3A_28, %dma_wait3A_30] : memref<32768x1024xf32, #tpu.memory_space<hbm>> -> memref<16x1024xf32, #tpu.memory_space<hbm>>
    tpu.wait_dma2 semaphore(%arg14 : memref<!tpu.dma_semaphore, #tpu.memory_space<semaphore_mem>>) src(%arg6 : memref<16x1024xf32, #tpu.memory_space<vmem>>) dst(%dma_wait3A_31 : memref<16x1024xf32, #tpu.memory_space<hbm>>)
    %add3A_32 = arith.constant 976 : i32
    %add3A_33 = arith.addi %mul3A_2, %add3A_32 : i32
    %dma_wait3A_34 = arith.constant 0 : i32
    %dma_wait3A_35 = tpu.memref_slice %arg4[%add3A_33, %dma_wait3A_34] : memref<32768x1024xf32, #tpu.memory_space<hbm>> -> memref<16x1024xf32, #tpu.memory_space<hbm>>
    %dma_wait3A_36 = arith.constant 0 : i32
    %dma_wait3A_37 = tpu.memref_slice %arg4[%add3A_33, %dma_wait3A_36] : memref<32768x1024xf32, #tpu.memory_space<hbm>> -> memref<16x1024xf32, #tpu.memory_space<hbm>>
    tpu.wait_dma2 semaphore(%arg15 : memref<!tpu.dma_semaphore, #tpu.memory_space<semaphore_mem>>) src(%arg7 : memref<16x1024xf32, #tpu.memory_space<vmem>>) dst(%dma_wait3A_37 : memref<16x1024xf32, #tpu.memory_space<hbm>>)
    %add3A_38 = arith.constant 992 : i32
    %add3A_39 = arith.addi %mul3A_2, %add3A_38 : i32
    %dma_wait3A_40 = arith.constant 0 : i32
    %dma_wait3A_41 = tpu.memref_slice %arg4[%add3A_39, %dma_wait3A_40] : memref<32768x1024xf32, #tpu.memory_space<hbm>> -> memref<16x1024xf32, #tpu.memory_space<hbm>>
    %dma_wait3A_42 = arith.constant 0 : i32
    %dma_wait3A_43 = tpu.memref_slice %arg4[%add3A_39, %dma_wait3A_42] : memref<32768x1024xf32, #tpu.memory_space<hbm>> -> memref<16x1024xf32, #tpu.memory_space<hbm>>
    tpu.wait_dma2 semaphore(%arg16 : memref<!tpu.dma_semaphore, #tpu.memory_space<semaphore_mem>>) src(%arg8 : memref<16x1024xf32, #tpu.memory_space<vmem>>) dst(%dma_wait3A_43 : memref<16x1024xf32, #tpu.memory_space<hbm>>)
    %add3A_44 = arith.constant 1008 : i32
    %add3A_45 = arith.addi %mul3A_2, %add3A_44 : i32
    %dma_wait3A_46 = arith.constant 0 : i32
    %dma_wait3A_47 = tpu.memref_slice %arg4[%add3A_45, %dma_wait3A_46] : memref<32768x1024xf32, #tpu.memory_space<hbm>> -> memref<16x1024xf32, #tpu.memory_space<hbm>>
    %dma_wait3A_48 = arith.constant 0 : i32
    %dma_wait3A_49 = tpu.memref_slice %arg4[%add3A_45, %dma_wait3A_48] : memref<32768x1024xf32, #tpu.memory_space<hbm>> -> memref<16x1024xf32, #tpu.memory_space<hbm>>
    tpu.wait_dma2 semaphore(%arg17 : memref<!tpu.dma_semaphore, #tpu.memory_space<semaphore_mem>>) src(%arg9 : memref<16x1024xf32, #tpu.memory_space<vmem>>) dst(%dma_wait3A_49 : memref<16x1024xf32, #tpu.memory_space<hbm>>)
    return
  }
}

module attributes {stable_mosaic.version = 14 : i64} {
  func.func @_norm_body(%arg0: i32, %arg1: memref<1x1024xf32, #tpu.memory_space<vmem>>, %arg2: memref<2048x1024xf32, #tpu.memory_space<vmem>>, %arg3: memref<32768x1024xf32, #tpu.memory_space<any>>, %arg4: memref<2048x1024xf32, #tpu.memory_space<vmem>>) attributes {dimension_semantics = [#tpu.dimension_semantics<arbitrary>], iteration_bounds = array<i64: 16>, scalar_prefetch = 0 : i64, scratch_operands = 0 : i64, tpu.core_type = #tpu.core_type<tc>, window_params = [{pipeline_mode = #tpu.pipeline_mode<synchronous>, transform_indices = @transform_0, window_bounds = array<i64: 1, 1024>}, {transform_indices = @transform_1, window_bounds = array<i64: 2048, 1024>}, {}, {transform_indices = @transform_3, window_bounds = array<i64: 2048, 1024>}]} {
    %get3A = arith.constant 0 : index
    %get3A_0 = arith.constant 0 : index
    %get3A_1 = vector.load %arg2[%get3A, %get3A_0] : memref<2048x1024xf32, #tpu.memory_space<vmem>>, vector<2048x1024xf32>
    %mul3A = arith.mulf %get3A_1, %get3A_1 : vector<2048x1024xf32>
    %reduce_sum3A = arith.constant dense<0.000000e+00> : vector<2048xf32>
    %reduce_sum3A_2 = vector.multi_reduction <add>, %mul3A, %reduce_sum3A [1] : vector<2048x1024xf32> to vector<2048xf32>
    %broadcast_in_dim3A = vector.shape_cast %reduce_sum3A_2 : vector<2048xf32> to vector<2048x1xf32>
    %div3A = arith.constant 1.024000e+03 : f32
    %div3A_3 = vector.broadcast %div3A : f32 to vector<2048x1xf32>
    %div3A_4 = arith.divf %broadcast_in_dim3A, %div3A_3 : vector<2048x1xf32>
    %add3A = arith.constant 9.99999974E-6 : f32
    %add3A_5 = vector.broadcast %add3A : f32 to vector<2048x1xf32>
    %add3A_6 = arith.addf %div3A_4, %add3A_5 : vector<2048x1xf32>
    %rsqrt3A = math.rsqrt %add3A_6 : vector<2048x1xf32>
    %mul3A_7 = vector.broadcast %rsqrt3A : vector<2048x1xf32> to vector<2048x1024xf32>
    %mul3A_8 = arith.mulf %get3A_1, %mul3A_7 : vector<2048x1024xf32>
    %get3A_9 = arith.constant 0 : index
    %get3A_10 = arith.constant 0 : index
    %get3A_11 = vector.load %arg1[%get3A_9, %get3A_10] : memref<1x1024xf32, #tpu.memory_space<vmem>>, vector<1x1024xf32>
    %mul3A_12 = vector.broadcast %get3A_11 : vector<1x1024xf32> to vector<2048x1024xf32>
    %mul3A_13 = arith.mulf %mul3A_8, %mul3A_12 : vector<2048x1024xf32>
    %swap3A = arith.constant 0 : index
    %swap3A_14 = arith.constant 0 : index
    %swap3A_15 = vector.load %arg4[%swap3A, %swap3A_14] : memref<2048x1024xf32, #tpu.memory_space<vmem>>, vector<2048x1024xf32>
    tpu.vector_store %arg4[%swap3A, %swap3A_14], %mul3A_13 {strides = array<i32>} : memref<2048x1024xf32, #tpu.memory_space<vmem>>, vector<2048x1024xf32>,
    return
  }
  func.func @transform_0(%arg0: i32) -> (i32, i32) {
    %c0_i32 = arith.constant 0 : i32
    %c0_i32_0 = arith.constant 0 : i32
    %c0_i32_1 = arith.constant 0 : i32
    return %c0_i32, %c0_i32_0 : i32, i32
  }
  func.func @transform_1(%arg0: i32) -> (i32, i32) {
    %c0_i32 = arith.constant 0 : i32
    %c0_i32_0 = arith.constant 0 : i32
    return %arg0, %c0_i32 : i32, i32
  }
  func.func @transform_3(%arg0: i32) -> (i32, i32) {
    %add3A = arith.constant 0 : i32
    %add3A_0 = arith.addi %arg0, %add3A : i32
    %c0_i32 = arith.constant 0 : i32
    %c0_i32_1 = arith.constant 0 : i32
    return %add3A_0, %c0_i32 : i32, i32
  }
}

</mosaic_0001>

<sc_bundles>
// kernel: kernel.4.cloned.1.call-start
scs
__scs_entry_jumppad:
0x0: {  	(pc) =	sbr.rel $0x88, $3  }
0x1: {  	(tag) =	ssettag $0x0;
	lr =	simm.s32 $0x1  }
0x2: {  	[smem:$0x3F9E] =	sst lr;
	_ =	strace $0xD0000000  }
0x3: {  	_ = 	snop  }
0x4: {  	_ = 	snop  }
0x5: {  	_ = 	snop  }
0x6: {  	_ = 	snop  }
0x7: {  	_ = 	snop  }
__scs_overlays_trampoline_lowered:
0x8: {  	[smem:$0x3FAD] =	sst s0  }
0x9: {  	[smem:$0x3FAE] =	sst s1  }
0xa: {  	[smem:$0x3FAF] =	sst s2  }
0xb: {  	[smem:$0x3FB0] =	sst s3  }
0xc: {  	[smem:$0x3FB1] =	sst s4  }
0xd: {  	[smem:$0x3FB2] =	sst s5  }
0xe: {  	[smem:$0x3FB3] =	sst s6  }
0xf: {  	[smem:$0x3FB4] =	sst s7  }
0x10: {  	[smem:$0x3FB5] =	sst s8  }
0x11: {  	[smem:$0x3FB6] =	sst s9;
	s0 =	simm.s32 @!p0 $0x0  }
0x12: {  	s1 =	sld [smem:$0x3F9C];
	s0 =	simm.s32 @p0 $0x1  }
0x13: {  	[smem:$0x3FB7] =	sst s0;
	s0 =	simm.s32 @!p1 $0x0  }
0x14: {  	s2 =	sld [smem:$0x3F9B];
	s0 =	simm.s32 @p1 $0x1  }
0x15: {  	[smem:$0x3FB8] =	sst s0;
	s0 =	simm.s32 @!p2 $0x0  }
0x16: {  	s3 =	sld [smem:$0x3FDB];
	s0 =	simm.s32 @p2 $0x1  }
0x17: {  	s4 =	simm.s32 $0x1BF5;
	[smem:$0x3FBA] =	sst s0  }
0x18: {  	s0 =	sld [smem:$0x3F9D];
	_ =	swait.ge [sflag:s4], $0x0  }
0x19: {  	s7 =	sld [smem:$0x3F9E]  }
0x1a: {  	s8 =	sadd.s32 $0xFFFFE003, lr  }
0x1b: {  	s9 =	sadd.s32 $0xFFFFFEF7, lr;
	s5 =	simm.s32 $0xFFFFFFFF;
	p2 =	slt.u32 s8, $0xFFFFF086  }
0x1c: {  	p1 =	slt.u32 s9, $0xF7A;
	s5 =	simm.s32 @!p2 $0x0  }
0x1d: {  	s5 =	simm.s32 @p1 $0x1;
	p0 =	seq.s32 s7, s2  }
0x1e: {  	s7 =	smul.u32 @!p0 $0xF7A, s2;
	p2 =	seq.s32 @!p0 s5, $0x0  }
0x1f: {  	s9 =	smul.u32 $0xF7A, s1;
	s8 =	simm.s32 @!p0 $0x1BF5;
	p2 =	por !p2, p0  }
0x20: {  	[sflag:s8] =	ssyncset.s32 @!p0 $0xFFFFF086;
	s6 =	sadd.s32 @!p0 s3, s7;
	s7 =	simm.s32 @!p0 $0x108  }
0x21: {  	s3 =	sadd.s32 s3, s9;
	s6 =	sadd.s32 @!p0 $0x88, s6;
	s7 =	simm.s32 @p2 $0x1082  }
0x22: {  	[simem:s7], [sflag:s8] =	dma.local @!p0 [hbm:s6], $0xF7A  }
0x23: {  	s9 =	sor.u32 $0xD0000000, s2;
	s6 =	simm.s32 $0x108;
	_ =	swait.ge @!p0 [sflag:s8], $0x0  }
0x24: {  	s3 =	sadd.s32 $0x88, s3;
	s6 =	simm.s32 @!p1 $0x1082;
	[sflag:s4] =	ssyncset.s32 $0xFFFFF086  }
0x25: {  	[simem:s6], [sflag:s4] =	dma.local [hbm:s3], $0xF7A  }
0x26: {  	[smem:$0x3F9E] =	sst s1;
	(tag) =	ssettag s2;
	_ =	strace s9  }
0x27: {  	s1 =	sld [smem:$0x3FAE]  }
0x28: {  	s2 =	sld [smem:$0x3FAF]  }
0x29: {  	s4 =	sld [smem:$0x3FB1]  }
0x2a: {  	p0 =	seq.s32 s5, $0x0;
	s5 =	sld [smem:$0x3FB2]  }
0x2b: {  	s6 =	sld [smem:$0x3FB3]  }
0x2c: {  	s7 =	sld [smem:$0x3FB4]  }
0x2d: {  	s3 =	simm.s32 $0x108;
	s8 =	sld [smem:$0x3FB5]  }
0x2e: {  	s3 =	simm.s32 @!p0 $0x1082;
	s9 =	sld [smem:$0x3FB6]  }
0x2f: {  	lr =	sadd.s32 s0, s3;
	s0 =	sld [smem:$0x3FAD]  }
0x30: {  	s3 =	sld [smem:$0x3FB0]  }
0x31: {  	[smem:$0x3FB9] =	sst s10  }
0x32: {  	s10 =	sld [smem:$0x3FB7];
	_ =	sdelay $0x3  }
0x33: {  	p0 =	seq.s32 s10, $0x1;
	s10 =	sld [smem:$0x3FB9];
	_ =	sdelay $0x3  }
0x34: {  	[smem:$0x3FB9] =	sst s10  }
0x35: {  	s10 =	sld [smem:$0x3FB8];
	_ =	sdelay $0x3  }
0x36: {  	p1 =	seq.s32 s10, $0x1;
	s10 =	sld [smem:$0x3FB9];
	_ =	sdelay $0x3  }
0x37: {  	[smem:$0x3FB9] =	sst s10  }
0x38: {  	s10 =	sld [smem:$0x3FBA]  }
0x39: {  	_ = 	snop;
	(pc) =	sbr.ind lr, $3  }
0x3a: {  	_ = 	snop  }
0x3b: {  	_ = 	snop  }
0x3c: {  	p2 =	seq.s32 s10, $0x1;
	s10 =	sld [smem:$0x3FB9]  }
0x3d: {  	_ =	shalt  }
0x3e: {  	_ =	shalt  }
0x3f: {  	_ =	shalt  }
0x40: {  	_ =	shalt  }
0x41: {  	_ =	shalt  }
0x42: {  	_ =	shalt  }
0x43: {  	_ =	shalt  }
0x44: {  	_ =	shalt  }
0x45: {  	_ =	shalt  }
0x46: {  	_ =	shalt  }
0x47: {  	_ =	shalt  }
0x48: {  	_ =	shalt  }
0x49: {  	_ =	shalt  }
0x4a: {  	_ =	shalt  }
0x4b: {  	_ =	shalt  }
0x4c: {  	_ =	shalt  }
0x4d: {  	_ =	shalt  }
0x4e: {  	_ =	shalt  }
0x4f: {  	_ =	shalt  }
0x50: {  	_ =	shalt  }
0x51: {  	_ =	shalt  }
0x52: {  	_ =	shalt  }
0x53: {  	_ =	shalt  }
0x54: {  	_ =	shalt  }
0x55: {  	_ =	shalt  }
0x56: {  	_ =	shalt  }
0x57: {  	_ =	shalt  }
0x58: {  	_ =	shalt  }
0x59: {  	_ =	shalt  }
0x5a: {  	_ =	shalt  }
0x5b: {  	_ =	shalt  }
0x5c: {  	_ =	shalt  }
0x5d: {  	_ =	shalt  }
0x5e: {  	_ =	shalt  }
0x5f: {  	_ =	shalt  }
0x60: {  	_ =	shalt  }
0x61: {  	_ =	shalt  }
0x62: {  	_ =	shalt  }
0x63: {  	_ =	shalt  }
0x64: {  	_ =	shalt  }
0x65: {  	_ =	shalt  }
0x66: {  	_ =	shalt  }
0x67: {  	_ =	shalt  }
0x68: {  	_ =	shalt  }
0x69: {  	_ =	shalt  }
0x6a: {  	_ =	shalt  }
0x6b: {  	_ =	shalt  }
0x6c: {  	_ =	shalt  }
0x6d: {  	_ =	shalt  }
0x6e: {  	_ =	shalt  }
0x6f: {  	_ =	shalt  }
0x70: {  	_ =	shalt  }
0x71: {  	_ =	shalt  }
0x72: {  	_ =	shalt  }
0x73: {  	_ =	shalt  }
0x74: {  	_ =	shalt  }
0x75: {  	_ =	shalt  }
0x76: {  	_ =	shalt  }
0x77: {  	_ =	shalt  }
0x78: {  	_ =	shalt  }
0x79: {  	_ =	shalt  }
0x7a: {  	_ =	shalt  }
0x7b: {  	_ =	shalt  }
0x7c: {  	_ =	shalt  }
0x7d: {  	_ =	shalt  }
0x7e: {  	_ =	shalt  }
0x7f: {  	_ =	shalt  }
0x80: {  	_ =	shalt  }
0x81: {  	_ =	shalt  }
0x82: {  	_ =	shalt  }
0x83: {  	_ =	shalt  }
0x84: {  	_ =	shalt  }
0x85: {  	_ =	shalt  }
0x86: {  	_ =	shalt  }
0x87: {  	_ =	shalt  }
.Lfunc_end0:
.L_simem_size_0:
called_computation_lowered:
.L_overlay_start_0:
0x88: {  	s2 =	sld [smem:$0x3FD9]  }
0x89: {  	s3 =	sld [smem:$0x3FFE];
	_ =	sdelay $0x1  }
0x8a: {  	s1 =	srdreg.scid  }
0x8b: {  	s0 =	sand.u32 $0x1, s1  }
0x8c: {  	s17 =	sshll.u32 s0, $0xA;
	s2 =	sadd.s32 s3, s2  }
0x8d: {  	s2 =	sadd.s32 s2, s17  }
0x8e: {  	[smem:$0x3FC5] =	sst s2  }
0x8f: {  	_ = 	snop  }
0x90: {  	s2 =	sld [smem:$0x3FC8]  }
0x91: {  	s18 =	sld [smem:$0x3FD0];
	(tm) =	ssettm $0x1  }
0x92: {  	s4 =	sld [smem:$0x3FFB];
	_ =	sdelay $0x3  }
0x93: {  	_ =	strace s4  }
0x94: {  	s4 =	sld [smem:$0x3FFC];
	_ =	sdelay $0x3  }
0x95: {  	_ =	strace s4  }
0x96: {  	s4 =	sld [smem:$0x3FFD];
	_ =	sdelay $0x3  }
0x97: {  	_ =	strace s4  }
0x98: {  	_ =	strace $0x8FFFFFFF  }
0x99: {  	s19 =	sld [smem:$0x3FDB];
	_ =	sdelay $0x1  }
0x9a: {  	s5 =	simm.s32 $_scs_section_size  }
0x9b: {  	s6 =	simm.s32 $_size__tile_overlayer_lowered;
	s7 =	simm.s32 $_tile_overlayer_lowered  }
0x9c: {  	s22 =	simm.s32 $0x1BFF;
	s21 =	sshll.u32 s7, $0x1;
	s4 =	sadd.s32 s5, s19  }
0x9d: {  	s8 =	simm.s32 $0x0;
	s20 =	sshll.u32 s6, $0x1;
	s6 =	sadd.s32 s21, s4  }
0x9e: {  	[timem:s8], [sflag:s22] =	dma.local [hbm:s6], s20  }
0x9f: {  	_ =	swait.ge [sflag:s22], s20  }
0xa0: {  	s5 =	ssub.s32 $0x0, s20;
	[sflag:s22] =	ssyncset.done $0x0  }
0xa1: {  	[sflag:s22] =	ssyncadd.s32 s5;
	_ =	sdelay $0x1  }
0xa2: {  	s23 =	simm.s32 $0x1B8B  }
0xa3: {  	_ =	swait.ge [sflag:s23], $0x1  }
0xa4: {  	[sflag:s23] =	ssyncset.done $0x0  }
0xa5: {  	s25 =	simm.s32 $0x1B8E;
	s24 =	sld [smem:$0x3FFE];
	[sflag:s23] =	ssyncadd.s32 $0xFFFFFFFF  }
0xa6: {  	s26 =	simm.s32 $execute0_lowered;
	[smem:$0x3FD2] =	sst s25  }
0xa7: {  	s6 =	sshll.u32 s26, $0x1;
	_ =	strace $0x80000046;
	[dreg:$0x1] =	wrdreg $0xFFFFFFFF  }
0xa8: {  	s28 =	simm.s32 $_size_execute0_lowered;
	s4 =	sadd.s32 s4, s6;
	[dreg:$0x0] =	wrdreg $0x0  }
0xa9: {  	s6 =	sshll.u32 s28, $0x1;
	[dreg:$0x2] =	wrdreg s4  }
0xaa: {  	[dreg:$0x3] =	wrdreg s6  }
0xab: {  	[dreg:$0x4] =	wrdreg $0xC0  }
0xac: {  	_ =	task [dreg:s8], $0x5FFFF  }
0xad: {  	[dreg:$0x1] =	wrdreg $0xFFFFFFFF  }
0xae: {  	[dreg:$0x0] =	wrdreg $0x60  }
0xaf: {  	[dreg:$0x2] =	wrdreg s18  }
0xb0: {  	[dreg:$0x3] =	wrdreg s2  }
0xb1: {  	[dreg:$0x4] =	wrdreg s24  }
0xb2: {  	[dreg:$0x5] =	wrdreg $0x9  }
0xb3: {  	_ =	task.clear_ibuf [dreg:s8], $0x6FFFF;
	_ =	strace $0x90000046  }
0xb4: {  	s29 =	simm.s32 $0x9;
	_ =	strace $0x80000048  }
0xb5: {  	_ =	swait.ge [sflag:s29], $0x1  }
0xb6: {  	[sflag:s29] =	ssyncadd.s32 $0xFFFFFFFF  }
0xb7: {  	_ =	strace $0x90000048  }
0xb8: {  	_ =	sfence  }
0xb9: {  	s30 =	sld [smem:$0x0];
	_ =	sdelay $0x2  }
0xba: {  	s31 =	sshll.u32 s1, $0xD;
	s1 =	sshrl.u32 s1, $0x2  }
0xbb: {  	s3 =	sand.u32 $0x4000, s31;
	s1 =	sadd.s32 s1, s30  }
0xbc: {  	s0 =	sor.u32 s3, s0;
	s1 =	sshll.u32 s1, $0x11  }
0xbd: {  	s0 =	sor.u32 s1, s0  }
0xbe: {  	s0 =	sadd.s32 $0x8F2B, s0  }
0xbf: {  	[sflag:s0] =	ssyncadd.remote.s32 $0x1  }
0xc0: {  	_ =	sfence.sel $0xFFFF  }
0xc1: {  	[dreg:$0x0] =	wrdreg $0xFFFFFFFF;
	(pc) =	sbr.abs _section_cstart, $3  }
0xc2: {  	[dreg:$0x1] =	wrdreg $0xFFFFFFFF  }
0xc3: {  	_ =	task.clear_ibuf [dreg:s8], $0x2FFFF;
	_ =	strace $0x9FFFFFFF  }
0xc4: {  	(tm) =	ssettm $0x7FFFFFFF  }
0xc5: {  	_ =	shalt  }
tec
execute0_lowered:
.L_overlay_start_1:
0x0: {  	(tag) =	ssettag $0x1  }
0x1: {  	s0 =	rddreg [dreg:$0x0]  }
0x2: {  	s1 =	rddreg [dreg:$0x1]  }
0x3: {  	s2 =	rddreg [dreg:$0x2];
	s3 =	simm.s32 $0x0  }
0x4: {  	s4 =	srdreg.scid;
	s7 =	stileid.u32;
	s11 =	simm.s32 $0x400  }
0x5: {  	s19 =	simm.s32 $0x4400;
	s28 =	simm.s32 $0x8400;
	s14 =	simm.s32 $0xC400  }
0x6: {  	s15 =	simm.s32 $0xCC00;
	s16 =	simm.s32 $0xD400;
	s17 =	simm.s32 $0xDC00  }
0x7: {  	s18 =	simm.s32 $0xE400;
	s20 =	simm.s32 $0xEC00;
	s21 =	simm.s32 $0xF400  }
0x8: {  	s22 =	simm.s32 $0xFC00;
	s23 =	simm.s32 $0x1;
	s29 =	simm.s32 $0x5  }
0x9: {  	s30 =	simm.s32 $0x6;
	s31 =	simm.s32 $0x7;
	[smem:$0x7FF] =	sst s3  }
0xa: {  	s4 =	sand.u32 $0x1, s4;
	s5 =	sshll.u32 s7, $0xB;
	s7 =	sshll.u32 s7, $0x12  }
0xb: {  	_ =	strace $0x80000047;
	s6 =	sshll.u32 s4, $0xA;
	s8 =	ssub.s32 $0x2, s4  }
0xc: {  	s2 =	sadd.s32 s7, s2;
	s25 =	sshll.u32 s4, $0x11;
	s7 =	sadd.s32 $0x300, s1  }
0xd: {  	s5 =	sor.u32 s6, s5;
	s24 =	sshrl.u32 s8, $0x1;
	s6 =	sadd.s32 $0x200, s1  }
.Ltmp0:
0xe: {  	s5 =	sshrl.u32 s5, $0x3;
	s8 =	ssub.s32 s8, s24;
	(pc) =	sbr.rel .LBB2_1-.Ltmp0, $4  }
0xf: {  	s24 =	simm.s32 $0x2;
	s0 =	sadd.s32 s0, s5;
	s5 =	sadd.s32 $0x100, s1  }
0x10: {  	v2 =	vlaneseq.u32;
	s26 =	smax.u32 s8, $0x1;
	[dreg:$0x4] =	wrdreg s0;
	s0 =	sadd.s32 s25, s2  }
0x11: {  	vm0 =	vmmov $0xffff;
	v1 =	vshrl.u32 v2, $0x3;
	[dreg:$0x5] =	wrdreg s26;
	s25 =	simm.s32 $0x3;
	s26 =	simm.s32 $0x4  }
0x12: {  	v0 =	vand.u32 $0x7, v2;
	v2 =	vor.u32 $0x8, v2;
	v1 =	vmul.u32 $0x8, v1;
	s2 =	simm.s32 $0x0;
	s9 =	sadd.s32 $0x600, s0;
	s0 =	simm.s32 $0x8  }
.LBB2_4:
0x13: {  	_ =	swait.ge [sflag:s29], $0x4000  }
0x14: {  	[sflag:s29] =	ssyncset.done $0x0  }
0x15: {  	[sflag:s29] =	ssyncadd.s32 $0xFFFFC000  }
0x16: {  	_ =	swait.ge [sflag:s30], $0x4000  }
0x17: {  	[sflag:s30] =	ssyncset.done $0x0  }
0x18: {  	[sflag:s30] =	ssyncadd.s32 $0xFFFFC000  }
0x19: {  	_ =	swait.ge [sflag:s31], $0x4000  }
0x1a: {  	[sflag:s31] =	ssyncset.done $0x0  }
0x1b: {  	[sflag:s31] =	ssyncadd.s32 $0xFFFFC000  }
0x1c: {  	_ =	swait.ge [sflag:s0], $0x4000  }
0x1d: {  	s2 =	sadd.s32 $0x1, s2;
	s4 =	rddreg [dreg:$0x5]  }
0x1e: {  	p0 =	sne.s32 s2, s4  }
.Ltmp1:
0x1f: {  	_ = 	snop;
	(pc) =	sbr.rel @!p0 .LBB2_5-.Ltmp1, $3  }
0x20: {  	_ =	sdelay $0x1  }
0x21: {  	[sflag:s0] =	ssyncset.done $0x0  }
0x22: {  	[sflag:s0] =	ssyncadd.s32 $0xFFFFC000  }
.LBB2_1:
0x23: {  	s4 =	rddreg [dreg:$0x4];
	s12 =	simm.s32 $0x9  }
0x24: {  	[tilespmem:s3], [sflag:$0x9] =	stream.linear.gather [hbm4b:s4+s3], $0x400, $0x38;
	[tilespmem:$0x10400] =	vst v63  }
0x25: {  	_ =	swait.ge [sflag:s12], $0x400  }
0x26: {  	[sflag:s12] =	ssyncset.done $0x0  }
0x27: {  	[sflag:s12] =	ssyncadd.s32 $0xFFFFFC00  }
0x28: {  	v3 =	vld [tilespmem:$0x0];
	_ =	sdelay $0x4  }
0x29: {  	v4 =	vshll.u32 v3, $0x3  }
0x2a: {  	v3 =	vand.u32 $0x7, v3;
	v4 =	vand.u32 $0xFFFFFFC0, v4  }
0x2b: {  	v3 =	vor.u32 v3, v4  }
0x2c: {  	v4 =	vperm.xlane v3, v0;
	_ =	sdelay $0x1  }
0x2d: {  	v4 =	vadd.s32 v1, v4;
	_ =	sdelay $0x4  }
0x2e: {  	[tilespmem:s11], [sflag:$0x1] =	stream.indirect_vreg.gather [hbm4b:s1+s3], $0x80, v4, vm0, $0xb8;
	[tilespmem:$0x10400] =	vst v63  }
0x2f: {  	s13 =	simm.s32 $0xC00;
	v3 =	vperm.xlane v3, v2  }
0x30: {  	[tilespmem:s13], [sflag:$0x1] =	stream.indirect_vreg.gather [hbm4b:s5+s3], $0x80, v4, vm0, $0xb8;
	[tilespmem:$0x10400] =	vst v63  }
0x31: {  	s8 =	simm.s32 $0x1400;
	v3 =	vadd.s32 v1, v3  }
0x32: {  	[tilespmem:s8], [sflag:$0x1] =	stream.indirect_vreg.gather [hbm4b:s6+s3], $0x80, v4, vm0, $0xb8;
	[tilespmem:$0x10400] =	vst v63  }
0x33: {  	s10 =	simm.s32 $0x1C00  }
0x34: {  	[tilespmem:s10], [sflag:$0x1] =	stream.indirect_vreg.gather [hbm4b:s7+s3], $0x80, v4, vm0, $0xb8;
	[tilespmem:$0x10400] =	vst v63  }
0x35: {  	s12 =	simm.s32 $0x2400  }
0x36: {  	[tilespmem:s12], [sflag:$0x1] =	stream.indirect_vreg.gather [hbm4b:s1+s3], $0x80, v3, vm0, $0xb8;
	[tilespmem:$0x10400] =	vst v63  }
0x37: {  	s13 =	simm.s32 $0x2C00  }
0x38: {  	[tilespmem:s13], [sflag:$0x1] =	stream.indirect_vreg.gather [hbm4b:s5+s3], $0x80, v3, vm0, $0xb8;
	[tilespmem:$0x10400] =	vst v63  }
0x39: {  	s8 =	simm.s32 $0x3400  }
0x3a: {  	[tilespmem:s8], [sflag:$0x1] =	stream.indirect_vreg.gather [hbm4b:s6+s3], $0x80, v3, vm0, $0xb8;
	[tilespmem:$0x10400] =	vst v63  }
0x3b: {  	s10 =	simm.s32 $0x3C00  }
0x3c: {  	[tilespmem:s10], [sflag:$0x1] =	stream.indirect_vreg.gather [hbm4b:s7+s3], $0x80, v3, vm0, $0xb8;
	[tilespmem:$0x10400] =	vst v63  }
0x3d: {  	v3 =	vld [tilespmem:$0x10];
	_ =	sdelay $0x4  }
0x3e: {  	v61 =	vshll.u32 v3, $0x3  }
0x3f: {  	v3 =	vand.u32 $0x7, v3;
	v4 =	vand.u32 $0xFFFFFFC0, v61  }
0x40: {  	v3 =	vor.u32 v3, v4  }
0x41: {  	v4 =	vperm.xlane v3, v0;
	_ =	sdelay $0x1  }
0x42: {  	v4 =	vadd.s32 v1, v4;
	_ =	sdelay $0x4  }
0x43: {  	[tilespmem:s19], [sflag:$0x2] =	stream.indirect_vreg.gather [hbm4b:s1+s3], $0x80, v4, vm0, $0xb8;
	[tilespmem:$0x10400] =	vst v63  }
0x44: {  	s12 =	simm.s32 $0x4C00;
	v3 =	vperm.xlane v3, v2  }
0x45: {  	[tilespmem:s12], [sflag:$0x2] =	stream.indirect_vreg.gather [hbm4b:s5+s3], $0x80, v4, vm0, $0xb8;
	[tilespmem:$0x10400] =	vst v63  }
0x46: {  	s13 =	simm.s32 $0x5400;
	v3 =	vadd.s32 v1, v3  }
0x47: {  	[tilespmem:s13], [sflag:$0x2] =	stream.indirect_vreg.gather [hbm4b:s6+s3], $0x80, v4, vm0, $0xb8;
	[tilespmem:$0x10400] =	vst v63  }
0x48: {  	s8 =	simm.s32 $0x5C00  }
0x49: {  	[tilespmem:s8], [sflag:$0x2] =	stream.indirect_vreg.gather [hbm4b:s7+s3], $0x80, v4, vm0, $0xb8;
	[tilespmem:$0x10400] =	vst v63  }
0x4a: {  	s10 =	simm.s32 $0x6400  }
0x4b: {  	[tilespmem:s10], [sflag:$0x2] =	stream.indirect_vreg.gather [hbm4b:s1+s3], $0x80, v3, vm0, $0xb8;
	[tilespmem:$0x10400] =	vst v63  }
0x4c: {  	s12 =	simm.s32 $0x6C00  }
0x4d: {  	[tilespmem:s12], [sflag:$0x2] =	stream.indirect_vreg.gather [hbm4b:s5+s3], $0x80, v3, vm0, $0xb8;
	[tilespmem:$0x10400] =	vst v63  }
0x4e: {  	s13 =	simm.s32 $0x7400  }
0x4f: {  	[tilespmem:s13], [sflag:$0x2] =	stream.indirect_vreg.gather [hbm4b:s6+s3], $0x80, v3, vm0, $0xb8;
	[tilespmem:$0x10400] =	vst v63  }
0x50: {  	s8 =	simm.s32 $0x7C00  }
0x51: {  	[tilespmem:s8], [sflag:$0x2] =	stream.indirect_vreg.gather [hbm4b:s7+s3], $0x80, v3, vm0, $0xb8;
	[tilespmem:$0x10400] =	vst v63  }
0x52: {  	v3 =	vld [tilespmem:$0x20];
	_ =	sdelay $0x4  }
0x53: {  	v62 =	vshll.u32 v3, $0x3  }
0x54: {  	v3 =	vand.u32 $0x7, v3;
	v4 =	vand.u32 $0xFFFFFFC0, v62  }
0x55: {  	v3 =	vor.u32 v3, v4  }
0x56: {  	v4 =	vperm.xlane v3, v0;
	_ =	sdelay $0x1  }
0x57: {  	v4 =	vadd.s32 v1, v4;
	_ =	sdelay $0x4  }
0x58: {  	[tilespmem:s28], [sflag:$0x3] =	stream.indirect_vreg.gather [hbm4b:s1+s3], $0x80, v4, vm0, $0xb8;
	[tilespmem:$0x10400] =	vst v63  }
0x59: {  	s10 =	simm.s32 $0x8C00;
	v3 =	vperm.xlane v3, v2  }
0x5a: {  	[tilespmem:s10], [sflag:$0x3] =	stream.indirect_vreg.gather [hbm4b:s5+s3], $0x80, v4, vm0, $0xb8;
	[tilespmem:$0x10400] =	vst v63  }
0x5b: {  	s12 =	simm.s32 $0x9400;
	v3 =	vadd.s32 v1, v3  }
0x5c: {  	[tilespmem:s12], [sflag:$0x3] =	stream.indirect_vreg.gather [hbm4b:s6+s3], $0x80, v4, vm0, $0xb8;
	[tilespmem:$0x10400] =	vst v63  }
0x5d: {  	s13 =	simm.s32 $0x9C00  }
0x5e: {  	[tilespmem:s13], [sflag:$0x3] =	stream.indirect_vreg.gather [hbm4b:s7+s3], $0x80, v4, vm0, $0xb8;
	[tilespmem:$0x10400] =	vst v63  }
0x5f: {  	s8 =	simm.s32 $0xA400  }
0x60: {  	[tilespmem:s8], [sflag:$0x3] =	stream.indirect_vreg.gather [hbm4b:s1+s3], $0x80, v3, vm0, $0xb8;
	[tilespmem:$0x10400] =	vst v63  }
0x61: {  	s10 =	simm.s32 $0xAC00  }
0x62: {  	[tilespmem:s10], [sflag:$0x3] =	stream.indirect_vreg.gather [hbm4b:s5+s3], $0x80, v3, vm0, $0xb8;
	[tilespmem:$0x10400] =	vst v63  }
0x63: {  	s12 =	simm.s32 $0xB400  }
0x64: {  	[tilespmem:s12], [sflag:$0x3] =	stream.indirect_vreg.gather [hbm4b:s6+s3], $0x80, v3, vm0, $0xb8;
	[tilespmem:$0x10400] =	vst v63  }
0x65: {  	s13 =	simm.s32 $0xBC00  }
0x66: {  	[tilespmem:s13], [sflag:$0x3] =	stream.indirect_vreg.gather [hbm4b:s7+s3], $0x80, v3, vm0, $0xb8;
	[tilespmem:$0x10400] =	vst v63  }
0x67: {  	v3 =	vld [tilespmem:$0x30];
	_ =	sdelay $0x4  }
0x68: {  	v63 =	vshll.u32 v3, $0x3  }
0x69: {  	v3 =	vand.u32 $0x7, v3;
	v4 =	vand.u32 $0xFFFFFFC0, v63  }
0x6a: {  	v3 =	vor.u32 v3, v4  }
0x6b: {  	v4 =	vperm.xlane v3, v0;
	_ =	sdelay $0x1  }
0x6c: {  	v4 =	vadd.s32 v1, v4;
	_ =	sdelay $0x4  }
0x6d: {  	[tilespmem:s14], [sflag:$0x4] =	stream.indirect_vreg.gather [hbm4b:s1+s3], $0x80, v4, vm0, $0xb8;
	[tilespmem:$0x10400] =	vst v63  }
0x6e: {  	v3 =	vperm.xlane v3, v2  }
0x6f: {  	[tilespmem:s15], [sflag:$0x4] =	stream.indirect_vreg.gather [hbm4b:s5+s3], $0x80, v4, vm0, $0xb8;
	[tilespmem:$0x10400] =	vst v63  }
0x70: {  	v3 =	vadd.s32 v1, v3  }
0x71: {  	[tilespmem:s16], [sflag:$0x4] =	stream.indirect_vreg.gather [hbm4b:s6+s3], $0x80, v4, vm0, $0xb8;
	[tilespmem:$0x10400] =	vst v63  }
0x72: {  	_ = 	snop  }
0x73: {  	[tilespmem:s17], [sflag:$0x4] =	stream.indirect_vreg.gather [hbm4b:s7+s3], $0x80, v4, vm0, $0xb8;
	[tilespmem:$0x10400] =	vst v63  }
0x74: {  	_ = 	snop  }
0x75: {  	[tilespmem:s18], [sflag:$0x4] =	stream.indirect_vreg.gather [hbm4b:s1+s3], $0x80, v3, vm0, $0xb8;
	[tilespmem:$0x10400] =	vst v63  }
0x76: {  	_ = 	snop  }
0x77: {  	[tilespmem:s20], [sflag:$0x4] =	stream.indirect_vreg.gather [hbm4b:s5+s3], $0x80, v3, vm0, $0xb8;
	[tilespmem:$0x10400] =	vst v63  }
0x78: {  	_ = 	snop  }
0x79: {  	[tilespmem:s21], [sflag:$0x4] =	stream.indirect_vreg.gather [hbm4b:s6+s3], $0x80, v3, vm0, $0xb8;
	[tilespmem:$0x10400] =	vst v63  }
0x7a: {  	s12 =	simm.s32 $0x70;
	s13 =	simm.s32 $0x0  }
0x7b: {  	[tilespmem:s22], [sflag:$0x4] =	stream.indirect_vreg.gather [hbm4b:s7+s3], $0x80, v3, vm0, $0xb8;
	[tilespmem:$0x10400] =	vst v63  }
.LBB2_2:
0x7c: {  	_ =	swait.ge [sflag:s23], $0x4000  }
0x7d: {  	p0 =	seq.s32 s13, $0x1E000;
	[sflag:s23] =	ssyncset.done $0x0  }
0x7e: {  	s4 =	sadd.s32 s13, s9;
	s8 =	simm.s32 @!p0 $0x5;
	[sflag:s23] =	ssyncadd.s32 $0xFFFFC000  }
0x7f: {  	[hbm4b:s4+s3] =	stream.linear.scatter [tilespmem:s11], [sflag:$0x5], $0x4000, $0x38;
	[tilespmem:$0x10400] =	vst v63  }
0x80: {  	_ =	swait.ge @!p0 [sflag:s8], $0x4000  }
0x81: {  	[sflag:s8] =	ssyncset.done @!p0 $0x0  }
0x82: {  	[sflag:s8] =	ssyncadd.s32 @!p0 $0xFFFFC000  }
0x83: {  	v3 =	vld @!p0 [tilespmem:s12+$0xFFFFFFD0];
	_ =	sdelay $0x4  }
0x84: {  	v4 =	vshll.u32 @!p0 v3, $0x3  }
0x85: {  	v5 =	vlaneseq.u32 @!p0;
	v3 =	vand.u32 @!p0 $0x7, v3;
	v4 =	vand.u32 @!p0 $0xFFFFFFC0, v4  }
0x86: {  	v6 =	vshrl.u32 @!p0 v5, $0x3;
	v3 =	vor.u32 @!p0 v3, v4;
	v4 =	vand.u32 @!p0 $0x7, v5  }
0x87: {  	v6 =	vmul.u32 @!p0 $0x8, v6;
	v7 =	vperm.xlane @!p0 v3, v4;
	_ =	sdelay $0x1  }
0x88: {  	v7 =	vadd.s32 @!p0 v6, v7;
	_ =	sdelay $0x3  }
0x89: {  	vm1 =	vmmov @!p0 $0xffff;
	s10 =	simm.s32 @!p0 $0x400;
	s8 =	simm.s32 @!p0 $0x0  }
0x8a: {  	v5 =	vor.u32 @!p0 $0x8, v5;
	[tilespmem:s10], [sflag:$0x1] =	stream.indirect_vreg.gather @!p0 [hbm4b:s1+s8], $0x80, v7, vm1, $0xb8;
	[tilespmem:$0x10400] =	vst v63  }
0x8b: {  	v3 =	vperm.xlane @!p0 v3, v5;
	s10 =	simm.s32 @!p0 $0xC00  }
0x8c: {  	[tilespmem:s10], [sflag:$0x1] =	stream.indirect_vreg.gather @!p0 [hbm4b:s5+s8], $0x80, v7, vm1, $0xb8;
	[tilespmem:$0x10400] =	vst v63  }
0x8d: {  	v3 =	vadd.s32 @!p0 v6, v3;
	s10 =	simm.s32 @!p0 $0x1400  }
0x8e: {  	[tilespmem:s10], [sflag:$0x1] =	stream.indirect_vreg.gather @!p0 [hbm4b:s6+s8], $0x80, v7, vm1, $0xb8;
	[tilespmem:$0x10400] =	vst v63  }
0x8f: {  	s10 =	simm.s32 @!p0 $0x1C00  }
0x90: {  	[tilespmem:s10], [sflag:$0x1] =	stream.indirect_vreg.gather @!p0 [hbm4b:s7+s8], $0x80, v7, vm1, $0xb8;
	[tilespmem:$0x10400] =	vst v63  }
0x91: {  	s10 =	simm.s32 @!p0 $0x2400  }
0x92: {  	[tilespmem:s10], [sflag:$0x1] =	stream.indirect_vreg.gather @!p0 [hbm4b:s1+s8], $0x80, v3, vm1, $0xb8;
	[tilespmem:$0x10400] =	vst v63  }
0x93: {  	s10 =	simm.s32 @!p0 $0x2C00  }
0x94: {  	[tilespmem:s10], [sflag:$0x1] =	stream.indirect_vreg.gather @!p0 [hbm4b:s5+s8], $0x80, v3, vm1, $0xb8;
	[tilespmem:$0x10400] =	vst v63  }
0x95: {  	s10 =	simm.s32 @!p0 $0x3400  }
0x96: {  	[tilespmem:s10], [sflag:$0x1] =	stream.indirect_vreg.gather @!p0 [hbm4b:s6+s8], $0x80, v3, vm1, $0xb8;
	[tilespmem:$0x10400] =	vst v63  }
0x97: {  	s10 =	simm.s32 @!p0 $0x3C00  }
0x98: {  	[tilespmem:s10], [sflag:$0x1] =	stream.indirect_vreg.gather @!p0 [hbm4b:s7+s8], $0x80, v3, vm1, $0xb8;
	[tilespmem:$0x10400] =	vst v63  }
0x99: {  	_ =	swait.ge [sflag:s24], $0x4000  }
0x9a: {  	[sflag:s24] =	ssyncset.done $0x0  }
0x9b: {  	s10 =	sadd.s32 $0x800, s4;
	[sflag:s24] =	ssyncadd.s32 $0xFFFFC000  }
0x9c: {  	[hbm4b:s10+s3] =	stream.linear.scatter [tilespmem:s19], [sflag:$0x6], $0x4000, $0x38;
	[tilespmem:$0x10400] =	vst v63  }
0x9d: {  	s10 =	simm.s32 @!p0 $0x6  }
0x9e: {  	_ =	swait.ge @!p0 [sflag:s10], $0x4000  }
0x9f: {  	[sflag:s10] =	ssyncset.done @!p0 $0x0  }
0xa0: {  	[sflag:s10] =	ssyncadd.s32 @!p0 $0xFFFFC000  }
0xa1: {  	v3 =	vld @!p0 [tilespmem:s12+$0xFFFFFFE0];
	_ =	sdelay $0x4  }
0xa2: {  	v7 =	vshll.u32 @!p0 v3, $0x3  }
0xa3: {  	v3 =	vand.u32 @!p0 $0x7, v3;
	v7 =	vand.u32 @!p0 $0xFFFFFFC0, v7  }
0xa4: {  	v3 =	vor.u32 @!p0 v3, v7  }
0xa5: {  	v7 =	vperm.xlane @!p0 v3, v4;
	_ =	sdelay $0x1  }
0xa6: {  	v7 =	vadd.s32 @!p0 v6, v7;
	_ =	sdelay $0x3  }
0xa7: {  	s10 =	simm.s32 @!p0 $0x4400  }
0xa8: {  	[tilespmem:s10], [sflag:$0x2] =	stream.indirect_vreg.gather @!p0 [hbm4b:s1+s8], $0x80, v7, vm1, $0xb8;
	[tilespmem:$0x10400] =	vst v63  }
0xa9: {  	v3 =	vperm.xlane @!p0 v3, v5;
	s10 =	simm.s32 @!p0 $0x4C00  }
0xaa: {  	[tilespmem:s10], [sflag:$0x2] =	stream.indirect_vreg.gather @!p0 [hbm4b:s5+s8], $0x80, v7, vm1, $0xb8;
	[tilespmem:$0x10400] =	vst v63  }
0xab: {  	v3 =	vadd.s32 @!p0 v6, v3;
	s10 =	simm.s32 @!p0 $0x5400  }
0xac: {  	[tilespmem:s10], [sflag:$0x2] =	stream.indirect_vreg.gather @!p0 [hbm4b:s6+s8], $0x80, v7, vm1, $0xb8;
	[tilespmem:$0x10400] =	vst v63  }
0xad: {  	s10 =	simm.s32 @!p0 $0x5C00  }
0xae: {  	[tilespmem:s10], [sflag:$0x2] =	stream.indirect_vreg.gather @!p0 [hbm4b:s7+s8], $0x80, v7, vm1, $0xb8;
	[tilespmem:$0x10400] =	vst v63  }
0xaf: {  	s10 =	simm.s32 @!p0 $0x6400  }
0xb0: {  	[tilespmem:s10], [sflag:$0x2] =	stream.indirect_vreg.gather @!p0 [hbm4b:s1+s8], $0x80, v3, vm1, $0xb8;
	[tilespmem:$0x10400] =	vst v63  }
0xb1: {  	s10 =	simm.s32 @!p0 $0x6C00  }
0xb2: {  	[tilespmem:s10], [sflag:$0x2] =	stream.indirect_vreg.gather @!p0 [hbm4b:s5+s8], $0x80, v3, vm1, $0xb8;
	[tilespmem:$0x10400] =	vst v63  }
0xb3: {  	s10 =	simm.s32 @!p0 $0x7400  }
0xb4: {  	[tilespmem:s10], [sflag:$0x2] =	stream.indirect_vreg.gather @!p0 [hbm4b:s6+s8], $0x80, v3, vm1, $0xb8;
	[tilespmem:$0x10400] =	vst v63  }
0xb5: {  	s10 =	simm.s32 @!p0 $0x7C00  }
0xb6: {  	[tilespmem:s10], [sflag:$0x2] =	stream.indirect_vreg.gather @!p0 [hbm4b:s7+s8], $0x80, v3, vm1, $0xb8;
	[tilespmem:$0x10400] =	vst v63  }
0xb7: {  	_ =	swait.ge [sflag:s25], $0x4000  }
0xb8: {  	[sflag:s25] =	ssyncset.done $0x0  }
0xb9: {  	s10 =	sadd.s32 $0x1000, s4;
	[sflag:s25] =	ssyncadd.s32 $0xFFFFC000  }
0xba: {  	[hbm4b:s10+s3] =	stream.linear.scatter [tilespmem:s28], [sflag:$0x7], $0x4000, $0x38;
	[tilespmem:$0x10400] =	vst v63  }
0xbb: {  	s10 =	simm.s32 @!p0 $0x7  }
0xbc: {  	_ =	swait.ge @!p0 [sflag:s10], $0x4000  }
0xbd: {  	[sflag:s10] =	ssyncset.done @!p0 $0x0  }
0xbe: {  	[sflag:s10] =	ssyncadd.s32 @!p0 $0xFFFFC000  }
0xbf: {  	v3 =	vld @!p0 [tilespmem:s12+$0xFFFFFFF0];
	_ =	sdelay $0x4  }
0xc0: {  	v7 =	vshll.u32 @!p0 v3, $0x3  }
0xc1: {  	v3 =	vand.u32 @!p0 $0x7, v3;
	v7 =	vand.u32 @!p0 $0xFFFFFFC0, v7  }
0xc2: {  	v3 =	vor.u32 @!p0 v3, v7  }
0xc3: {  	v4 =	vperm.xlane @!p0 v3, v4;
	_ =	sdelay $0x1  }
0xc4: {  	v4 =	vadd.s32 @!p0 v6, v4;
	_ =	sdelay $0x3  }
0xc5: {  	s10 =	simm.s32 @!p0 $0x8400  }
0xc6: {  	[tilespmem:s10], [sflag:$0x3] =	stream.indirect_vreg.gather @!p0 [hbm4b:s1+s8], $0x80, v4, vm1, $0xb8;
	[tilespmem:$0x10400] =	vst v63  }
0xc7: {  	v3 =	vperm.xlane @!p0 v3, v5;
	s10 =	simm.s32 @!p0 $0x8C00  }
0xc8: {  	[tilespmem:s10], [sflag:$0x3] =	stream.indirect_vreg.gather @!p0 [hbm4b:s5+s8], $0x80, v4, vm1, $0xb8;
	[tilespmem:$0x10400] =	vst v63  }
0xc9: {  	v3 =	vadd.s32 @!p0 v6, v3;
	s10 =	simm.s32 @!p0 $0x9400  }
0xca: {  	[tilespmem:s10], [sflag:$0x3] =	stream.indirect_vreg.gather @!p0 [hbm4b:s6+s8], $0x80, v4, vm1, $0xb8;
	[tilespmem:$0x10400] =	vst v63  }
0xcb: {  	s10 =	simm.s32 @!p0 $0x9C00  }
0xcc: {  	[tilespmem:s10], [sflag:$0x3] =	stream.indirect_vreg.gather @!p0 [hbm4b:s7+s8], $0x80, v4, vm1, $0xb8;
	[tilespmem:$0x10400] =	vst v63  }
0xcd: {  	s10 =	simm.s32 @!p0 $0xA400  }
0xce: {  	[tilespmem:s10], [sflag:$0x3] =	stream.indirect_vreg.gather @!p0 [hbm4b:s1+s8], $0x80, v3, vm1, $0xb8;
	[tilespmem:$0x10400] =	vst v63  }
0xcf: {  	s10 =	simm.s32 @!p0 $0xAC00  }
0xd0: {  	[tilespmem:s10], [sflag:$0x3] =	stream.indirect_vreg.gather @!p0 [hbm4b:s5+s8], $0x80, v3, vm1, $0xb8;
	[tilespmem:$0x10400] =	vst v63  }
0xd1: {  	s10 =	simm.s32 @!p0 $0xB400  }
0xd2: {  	[tilespmem:s10], [sflag:$0x3] =	stream.indirect_vreg.gather @!p0 [hbm4b:s6+s8], $0x80, v3, vm1, $0xb8;
	[tilespmem:$0x10400] =	vst v63  }
0xd3: {  	s10 =	simm.s32 @!p0 $0xBC00  }
0xd4: {  	[tilespmem:s10], [sflag:$0x3] =	stream.indirect_vreg.gather @!p0 [hbm4b:s7+s8], $0x80, v3, vm1, $0xb8;
	[tilespmem:$0x10400] =	vst v63  }
.Ltmp2:
0xd5: {  	_ = 	snop;
	(pc) =	sbr.rel @p0 .LBB2_4-.Ltmp2, $4  }
0xd6: {  	_ =	swait.ge [sflag:s26], $0x4000  }
0xd7: {  	[sflag:s26] =	ssyncset.done $0x0  }
0xd8: {  	s4 =	sadd.s32 $0x1800, s4;
	[sflag:s26] =	ssyncadd.s32 $0xFFFFC000  }
0xd9: {  	[hbm4b:s4+s3] =	stream.linear.scatter [tilespmem:s14], [sflag:$0x8], $0x4000, $0x38;
	[tilespmem:$0x10400] =	vst v63  }
0xda: {  	_ =	swait.ge [sflag:s0], $0x4000  }
0xdb: {  	[sflag:s0] =	ssyncset.done $0x0  }
0xdc: {  	[sflag:s0] =	ssyncadd.s32 $0xFFFFC000  }
0xdd: {  	v3 =	vld [tilespmem:s12+$0x0];
	_ =	sdelay $0x4  }
0xde: {  	v4 =	vshll.u32 v3, $0x3  }
0xdf: {  	v3 =	vand.u32 $0x7, v3;
	v4 =	vand.u32 $0xFFFFFFC0, v4  }
0xe0: {  	v3 =	vor.u32 v3, v4  }
0xe1: {  	v4 =	vperm.xlane v3, v0;
	_ =	sdelay $0x1  }
0xe2: {  	v4 =	vadd.s32 v1, v4;
	_ =	sdelay $0x4  }
0xe3: {  	[tilespmem:s14], [sflag:$0x4] =	stream.indirect_vreg.gather [hbm4b:s1+s3], $0x80, v4, vm0, $0xb8;
	[tilespmem:$0x10400] =	vst v63  }
0xe4: {  	v3 =	vperm.xlane v3, v2  }
0xe5: {  	[tilespmem:s15], [sflag:$0x4] =	stream.indirect_vreg.gather [hbm4b:s5+s3], $0x80, v4, vm0, $0xb8;
	[tilespmem:$0x10400] =	vst v63  }
0xe6: {  	v3 =	vadd.s32 v1, v3  }
0xe7: {  	[tilespmem:s16], [sflag:$0x4] =	stream.indirect_vreg.gather [hbm4b:s6+s3], $0x80, v4, vm0, $0xb8;
	[tilespmem:$0x10400] =	vst v63  }
0xe8: {  	_ = 	snop  }
0xe9: {  	[tilespmem:s17], [sflag:$0x4] =	stream.indirect_vreg.gather [hbm4b:s7+s3], $0x80, v4, vm0, $0xb8;
	[tilespmem:$0x10400] =	vst v63  }
0xea: {  	_ = 	snop  }
0xeb: {  	[tilespmem:s18], [sflag:$0x4] =	stream.indirect_vreg.gather [hbm4b:s1+s3], $0x80, v3, vm0, $0xb8;
	[tilespmem:$0x10400] =	vst v63  }
0xec: {  	_ = 	snop  }
0xed: {  	[tilespmem:s20], [sflag:$0x4] =	stream.indirect_vreg.gather [hbm4b:s5+s3], $0x80, v3, vm0, $0xb8;
	[tilespmem:$0x10400] =	vst v63  }
.Ltmp3:
0xee: {  	_ = 	snop;
	(pc) =	sbr.rel .LBB2_2-.Ltmp3, $4  }
0xef: {  	_ = 	snop  }
0xf0: {  	[tilespmem:s21], [sflag:$0x4] =	stream.indirect_vreg.gather [hbm4b:s6+s3], $0x80, v3, vm0, $0xb8;
	[tilespmem:$0x10400] =	vst v63  }
0xf1: {  	s13 =	sadd.s32 $0x2000, s13;
	s12 =	sadd.s32 $0x40, s12  }
0xf2: {  	[tilespmem:s22], [sflag:$0x4] =	stream.indirect_vreg.gather [hbm4b:s7+s3], $0x80, v3, vm0, $0xb8;
	[tilespmem:$0x10400] =	vst v63  }
.LBB2_5:
0xf3: {  	_ =	sfence.sel $0x180000  }
0xf4: {  	[bflag:$0x0] =	sbarrier.arrive $0xFFFF  }
0xf5: {  	_ =	strace $0x90000047  }
0xf6: {  	s0 =	stileid.u32;
	[bflag:$0x2] =	sbarrier.arrive $0xFFFF  }
0xf7: {  	p0 =	sne.s32 s0, $0x0;
	s0 =	rddreg [dreg:$0x3]  }
0xf8: {  	s0 =	sadd.s32 @!p0 $0x100000, s0  }
0xf9: {  	[sflag:s0] =	ssyncadd.tile.s32 @!p0 $0x1;
	_ =	shalt  }
.Lfunc_end2:
_tile_overlayer_lowered:
.L_overlay_start_2:
0xfa: {  	(tag) =	ssettag $0x2  }
0xfb: {  	s0 =	rddreg [dreg:$0x0];
	s2 =	stileid.u32  }
0xfc: {  	s1 =	rddreg [dreg:$0x1];
	p0 =	sne.s32 s2, $0x0  }
0xfd: {  	s3 =	rddreg [dreg:$0x2];
	[bflag:$0x3] =	sbarrier.arrive $0xFFFF;
	s2 =	simm.s32 @!p0 $0x1C09  }
0xfe: {  	[timem:s3], [sflag:s2] =	dma.local @!p0 [hbm:s0], s1  }
0xff: {  	s0 =	simm.s32 @!p0 $0x9  }
0x100: {  	_ =	swait.ge @!p0 [sflag:s0], s1  }
0x101: {  	s1 =	ssub.s32 @!p0 $0x0, s1;
	[sflag:s0] =	ssyncset.done @!p0 $0x0  }
0x102: {  	[sflag:s0] =	ssyncadd.s32 @!p0 s1  }
0x103: {  	[bflag:$0x3] =	sbarrier.arrive $0xFFFF  }
0x104: {  	_ =	shalt  }

</sc_bundles>
